<compile_context>
chip_gen: v7x
topology: tpu7x:2x2x1
jax: 0.10.2.dev20260603
libtpu: 0.0.44.dev20260713+nightly
codegen_flags: <defaults>
</compile_context>

<pallas_src>
import functools

import jax
import jax.numpy as jnp
from jax.experimental import pallas as pl
from jax.experimental.pallas import tpu as pltpu
from jax.experimental.pallas import tpu_sc as plsc

_MESH = plsc.ScalarSubcoreMesh(axis_name="c", num_cores=1)


@functools.partial(
    pl.kernel,
    mesh=_MESH,
    out_type=jax.ShapeDtypeStruct((1,), jnp.float32),
    scratch_types=[
        pltpu.SMEM((96,), jnp.float32),
        pltpu.SMEM((1,), jnp.float32),
    ],
    compiler_params=pltpu.CompilerParams(needs_layout_passes=False),
)
def _akima_scs(p_hbm, out_hbm, p_s, o_s):
    pltpu.sync_copy(p_hbm, p_s)
    x = p_s[0]
    hits = [jnp.where(p_s[16 + j] <= x, jnp.int32(1), jnp.int32(0)) for j in range(16)]
    while len(hits) > 1:
        hits = [a + b for a, b in zip(hits[::2], hits[1::2])]
    cnt = hits[0]
    i = jnp.clip(cnt - 1, 0, 14)
    bx = x - p_s[16 + i]
    c0 = p_s[32 + i]
    c1 = p_s[48 + i]
    c2 = p_s[64 + i]
    c3 = p_s[80 + i]
    v = c3 + bx * (c2 + bx * (c1 + bx * c0))
    o_s[0] = jnp.where(cnt < 16, v, jnp.float32(0.0))
    pltpu.sync_copy(o_s, out_hbm)


def kernel(b, xs, c):
    packed = jnp.concatenate(
        [
            jnp.broadcast_to(b, (1, 16)),
            xs[None, :],
            jnp.pad(c, ((0, 0), (0, 1))),
        ],
        axis=0,
    ).reshape(-1)
    return _akima_scs(packed)[0]

# --- scband reference (transcript-rebuilt; emitter-appended) ---
"""Pipeline reference for scband-akima1-dpack-29609504539538 (READ-ONLY COPY).

The authoritative reference and input builder live on the scoring server;
editing this copy changes nothing except your own understanding.
"""

import jax, jax.numpy as jnp
import numpy as np

XS = np.array([0.0, 1.0, 2.0, 3.0, 4.0, 5.0, 6.0, 7.0, 8.0, 9.0, 10.0, 11.0, 12.0, 13.0, 14.0, 15.0], dtype=np.float64)
YS = np.array([0.0, 0.8415, 0.9093, 0.1411, -0.7568, -0.9589, -0.2794, 0.657, 0.9894, 0.4121, -0.544, -1.0, -0.5366, 0.4202, 0.9906, 0.6503], dtype=np.float64)


def _akima_coeffs(x, y):
    # Reimplementation of scipy.interpolate.Akima1DInterpolator coefficient construction
    n = x.size
    dx = np.diff(x)
    m = np.empty(n + 3)
    m[2:-2] = np.diff(y) / dx
    m[1] = 2.0 * m[2] - m[3]
    m[0] = 2.0 * m[1] - m[2]
    m[-2] = 2.0 * m[-3] - m[-4]
    m[-1] = 2.0 * m[-2] - m[-3]
    dm = np.abs(np.diff(m))
    f1 = dm[2:]
    f2 = dm[:-2]
    f12 = f1 + f2
    t = 0.5 * (m[3:] + m[:-3])
    ind = f12 > 1e-9 * np.max(f12)
    t[ind] = (f1[ind] * m[1:-2][ind] + f2[ind] * m[2:-1][ind]) / f12[ind]
    dydx = m[2:-2]
    c = np.zeros((4, n - 1))
    c[3] = y[:-1]
    c[2] = t[:-1]
    c[1] = (3.0 * dydx - 2.0 * t[:-1] - t[1:]) / dx
    c[0] = (t[:-1] + t[1:] - 2.0 * dydx) / dx ** 2
    return c


def setup_inputs(seed: int = 0):
    key = jax.random.key(seed)
    b = jax.random.uniform(key, (1,), dtype=jnp.float32)
    xs = jnp.asarray(XS, dtype=jnp.float32)
    c = jnp.asarray(_akima_coeffs(XS, YS), dtype=jnp.float32)
    return {"b": b, "xs": xs, "c": c}


def reference(b, xs, c):
    # Faithful translation of Akima1DPack.forward: locate interval i with
    # xs[i] <= x < xs[i+1], then evaluate the degree-3 PPoly in (x - xs[i]).
    x = b[0]
    n = xs.shape[0]
    i = jnp.clip(jnp.searchsorted(xs, x, side='right') - 1, 0, n - 2)
    bx = x - xs[i]
    v = c[3, i] + c[2, i] * bx + c[1, i] * bx ** 2 + c[0, i] * bx ** 3
    # torch loop returns 0.0 if x >= xs[-1] (no interval matched)
    v = jnp.where(x < xs[-1], v, jnp.asarray(0.0, dtype=v.dtype))
    return v

if __name__ == "__main__":
    import jax
    _d = setup_inputs()
    print(jax.jit(kernel)(*tuple(_d.values())))

</pallas_src>

<mosaic_0001>
#map = affine_map<(d0) -> (0)>
module attributes {stable_mosaic.version = 14 : i64} {
  func.func @_akima_scs(%arg0: i32, %arg1: memref<96xf32, #tpu.memory_space<hbm>>, %arg2: memref<1xf32, #tpu.memory_space<hbm>>, %arg3: memref<96xf32, #tpu.memory_space<smem>>, %arg4: memref<1xf32, #tpu.memory_space<smem>>) attributes {dimension_semantics = [#tpu.dimension_semantics<core_parallel>], iteration_bounds = array<i64: 1>, scalar_prefetch = 0 : i64, scratch_operands = 2 : i64, tpu.core_type = #tpu.core_type<sc_scalar_subcore>, window_params = [{transform_indices = #map}, {transform_indices = #map}]} {
    "tpu.region"() ({
      %run_scoped3A = tpu.sem_alloc : memref<!tpu.dma_semaphore, #tpu.memory_space<semaphore_mem>>
      tpu.enqueue_dma source(%arg1 : memref<96xf32, #tpu.memory_space<hbm>>) target(%arg3 : memref<96xf32, #tpu.memory_space<smem>>) target_semaphore(%run_scoped3A : memref<!tpu.dma_semaphore, #tpu.memory_space<semaphore_mem>>)
      tpu.wait_dma2 semaphore(%run_scoped3A : memref<!tpu.dma_semaphore, #tpu.memory_space<semaphore_mem>>) src(%arg1 : memref<96xf32, #tpu.memory_space<hbm>>) dst(%arg3 : memref<96xf32, #tpu.memory_space<smem>>)
      tpu.yield
    }) : () -> ()
    %get3A = arith.constant 0 : i32
    %get3A_0 = arith.index_cast %get3A : i32 to index
    %get3A_1 = memref.load %arg3[%get3A_0] : memref<96xf32, #tpu.memory_space<smem>>
    %get3A_2 = arith.constant 16 : i32
    %get3A_3 = arith.index_cast %get3A_2 : i32 to index
    %get3A_4 = memref.load %arg3[%get3A_3] : memref<96xf32, #tpu.memory_space<smem>>
    %le3A = arith.cmpf ole, %get3A_4, %get3A_1 : f32
    %jit3A = arith.constant 1 : i32
    %jit3A_5 = arith.constant 0 : i32
    %select_n3A = arith.select %le3A, %jit3A, %jit3A_5 : i32
    %get3A_6 = arith.constant 17 : i32
    %get3A_7 = arith.index_cast %get3A_6 : i32 to index
    %get3A_8 = memref.load %arg3[%get3A_7] : memref<96xf32, #tpu.memory_space<smem>>
    %le3A_9 = arith.cmpf ole, %get3A_8, %get3A_1 : f32
    %jit3A_10 = arith.constant 1 : i32
    %jit3A_11 = arith.constant 0 : i32
    %select_n3A_12 = arith.select %le3A_9, %jit3A_10, %jit3A_11 : i32
    %get3A_13 = arith.constant 18 : i32
    %get3A_14 = arith.index_cast %get3A_13 : i32 to index
    %get3A_15 = memref.load %arg3[%get3A_14] : memref<96xf32, #tpu.memory_space<smem>>
    %le3A_16 = arith.cmpf ole, %get3A_15, %get3A_1 : f32
    %jit3A_17 = arith.constant 1 : i32
    %jit3A_18 = arith.constant 0 : i32
    %select_n3A_19 = arith.select %le3A_16, %jit3A_17, %jit3A_18 : i32
    %get3A_20 = arith.constant 19 : i32
    %get3A_21 = arith.index_cast %get3A_20 : i32 to index
    %get3A_22 = memref.load %arg3[%get3A_21] : memref<96xf32, #tpu.memory_space<smem>>
    %le3A_23 = arith.cmpf ole, %get3A_22, %get3A_1 : f32
    %jit3A_24 = arith.constant 1 : i32
    %jit3A_25 = arith.constant 0 : i32
    %select_n3A_26 = arith.select %le3A_23, %jit3A_24, %jit3A_25 : i32
    %get3A_27 = arith.constant 20 : i32
    %get3A_28 = arith.index_cast %get3A_27 : i32 to index
    %get3A_29 = memref.load %arg3[%get3A_28] : memref<96xf32, #tpu.memory_space<smem>>
    %le3A_30 = arith.cmpf ole, %get3A_29, %get3A_1 : f32
    %jit3A_31 = arith.constant 1 : i32
    %jit3A_32 = arith.constant 0 : i32
    %select_n3A_33 = arith.select %le3A_30, %jit3A_31, %jit3A_32 : i32
    %get3A_34 = arith.constant 21 : i32
    %get3A_35 = arith.index_cast %get3A_34 : i32 to index
    %get3A_36 = memref.load %arg3[%get3A_35] : memref<96xf32, #tpu.memory_space<smem>>
    %le3A_37 = arith.cmpf ole, %get3A_36, %get3A_1 : f32
    %jit3A_38 = arith.constant 1 : i32
    %jit3A_39 = arith.constant 0 : i32
    %select_n3A_40 = arith.select %le3A_37, %jit3A_38, %jit3A_39 : i32
    %get3A_41 = arith.constant 22 : i32
    %get3A_42 = arith.index_cast %get3A_41 : i32 to index
    %get3A_43 = memref.load %arg3[%get3A_42] : memref<96xf32, #tpu.memory_space<smem>>
    %le3A_44 = arith.cmpf ole, %get3A_43, %get3A_1 : f32
    %jit3A_45 = arith.constant 1 : i32
    %jit3A_46 = arith.constant 0 : i32
    %select_n3A_47 = arith.select %le3A_44, %jit3A_45, %jit3A_46 : i32
    %get3A_48 = arith.constant 23 : i32
    %get3A_49 = arith.index_cast %get3A_48 : i32 to index
    %get3A_50 = memref.load %arg3[%get3A_49] : memref<96xf32, #tpu.memory_space<smem>>
    %le3A_51 = arith.cmpf ole, %get3A_50, %get3A_1 : f32
    %jit3A_52 = arith.constant 1 : i32
    %jit3A_53 = arith.constant 0 : i32
    %select_n3A_54 = arith.select %le3A_51, %jit3A_52, %jit3A_53 : i32
    %get3A_55 = arith.constant 24 : i32
    %get3A_56 = arith.index_cast %get3A_55 : i32 to index
    %get3A_57 = memref.load %arg3[%get3A_56] : memref<96xf32, #tpu.memory_space<smem>>
    %le3A_58 = arith.cmpf ole, %get3A_57, %get3A_1 : f32
    %jit3A_59 = arith.constant 1 : i32
    %jit3A_60 = arith.constant 0 : i32
    %select_n3A_61 = arith.select %le3A_58, %jit3A_59, %jit3A_60 : i32
    %get3A_62 = arith.constant 25 : i32
    %get3A_63 = arith.index_cast %get3A_62 : i32 to index
    %get3A_64 = memref.load %arg3[%get3A_63] : memref<96xf32, #tpu.memory_space<smem>>
    %le3A_65 = arith.cmpf ole, %get3A_64, %get3A_1 : f32
    %jit3A_66 = arith.constant 1 : i32
    %jit3A_67 = arith.constant 0 : i32
    %select_n3A_68 = arith.select %le3A_65, %jit3A_66, %jit3A_67 : i32
    %get3A_69 = arith.constant 26 : i32
    %get3A_70 = arith.index_cast %get3A_69 : i32 to index
    %get3A_71 = memref.load %arg3[%get3A_70] : memref<96xf32, #tpu.memory_space<smem>>
    %le3A_72 = arith.cmpf ole, %get3A_71, %get3A_1 : f32
    %jit3A_73 = arith.constant 1 : i32
    %jit3A_74 = arith.constant 0 : i32
    %select_n3A_75 = arith.select %le3A_72, %jit3A_73, %jit3A_74 : i32
    %get3A_76 = arith.constant 27 : i32
    %get3A_77 = arith.index_cast %get3A_76 : i32 to index
    %get3A_78 = memref.load %arg3[%get3A_77] : memref<96xf32, #tpu.memory_space<smem>>
    %le3A_79 = arith.cmpf ole, %get3A_78, %get3A_1 : f32
    %jit3A_80 = arith.constant 1 : i32
    %jit3A_81 = arith.constant 0 : i32
    %select_n3A_82 = arith.select %le3A_79, %jit3A_80, %jit3A_81 : i32
    %get3A_83 = arith.constant 28 : i32
    %get3A_84 = arith.index_cast %get3A_83 : i32 to index
    %get3A_85 = memref.load %arg3[%get3A_84] : memref<96xf32, #tpu.memory_space<smem>>
    %le3A_86 = arith.cmpf ole, %get3A_85, %get3A_1 : f32
    %jit3A_87 = arith.constant 1 : i32
    %jit3A_88 = arith.constant 0 : i32
    %select_n3A_89 = arith.select %le3A_86, %jit3A_87, %jit3A_88 : i32
    %get3A_90 = arith.constant 29 : i32
    %get3A_91 = arith.index_cast %get3A_90 : i32 to index
    %get3A_92 = memref.load %arg3[%get3A_91] : memref<96xf32, #tpu.memory_space<smem>>
    %le3A_93 = arith.cmpf ole, %get3A_92, %get3A_1 : f32
    %jit3A_94 = arith.constant 1 : i32
    %jit3A_95 = arith.constant 0 : i32
    %select_n3A_96 = arith.select %le3A_93, %jit3A_94, %jit3A_95 : i32
    %get3A_97 = arith.constant 30 : i32
    %get3A_98 = arith.index_cast %get3A_97 : i32 to index
    %get3A_99 = memref.load %arg3[%get3A_98] : memref<96xf32, #tpu.memory_space<smem>>
    %le3A_100 = arith.cmpf ole, %get3A_99, %get3A_1 : f32
    %jit3A_101 = arith.constant 1 : i32
    %jit3A_102 = arith.constant 0 : i32
    %select_n3A_103 = arith.select %le3A_100, %jit3A_101, %jit3A_102 : i32
    %get3A_104 = arith.constant 31 : i32
    %get3A_105 = arith.index_cast %get3A_104 : i32 to index
    %get3A_106 = memref.load %arg3[%get3A_105] : memref<96xf32, #tpu.memory_space<smem>>
    %le3A_107 = arith.cmpf ole, %get3A_106, %get3A_1 : f32
    %jit3A_108 = arith.constant 1 : i32
    %jit3A_109 = arith.constant 0 : i32
    %select_n3A_110 = arith.select %le3A_107, %jit3A_108, %jit3A_109 : i32
    %add3A = arith.addi %select_n3A, %select_n3A_12 : i32
    %add3A_111 = arith.addi %select_n3A_19, %select_n3A_26 : i32
    %add3A_112 = arith.addi %select_n3A_33, %select_n3A_40 : i32
    %add3A_113 = arith.addi %select_n3A_47, %select_n3A_54 : i32
    %add3A_114 = arith.addi %select_n3A_61, %select_n3A_68 : i32
    %add3A_115 = arith.addi %select_n3A_75, %select_n3A_82 : i32
    %add3A_116 = arith.addi %select_n3A_89, %select_n3A_96 : i32
    %add3A_117 = arith.addi %select_n3A_103, %select_n3A_110 : i32
    %add3A_118 = arith.addi %add3A, %add3A_111 : i32
    %add3A_119 = arith.addi %add3A_112, %add3A_113 : i32
    %add3A_120 = arith.addi %add3A_114, %add3A_115 : i32
    %add3A_121 = arith.addi %add3A_116, %add3A_117 : i32
    %add3A_122 = arith.addi %add3A_118, %add3A_119 : i32
    %add3A_123 = arith.addi %add3A_120, %add3A_121 : i32
    %add3A_124 = arith.addi %add3A_122, %add3A_123 : i32
    %sub3A = arith.constant 1 : i32
    %sub3A_125 = arith.subi %add3A_124, %sub3A : i32
    %jit3A_126 = arith.constant 0 : i32
    %jit3A_127 = arith.constant 14 : i32
    %max3A = arith.maxsi %jit3A_126, %sub3A_125 : i32
    %min3A = arith.minsi %jit3A_127, %max3A : i32
    %add3A_128 = arith.constant 16 : i32
    %add3A_129 = arith.addi %add3A_128, %min3A : i32
    %get3A_130 = arith.index_cast %add3A_129 : i32 to index
    %get3A_131 = memref.load %arg3[%get3A_130] : memref<96xf32, #tpu.memory_space<smem>>
    %sub3A_132 = arith.subf %get3A_1, %get3A_131 : f32
    %add3A_133 = arith.constant 32 : i32
    %add3A_134 = arith.addi %add3A_133, %min3A : i32
    %get3A_135 = arith.index_cast %add3A_134 : i32 to index
    %get3A_136 = memref.load %arg3[%get3A_135] : memref<96xf32, #tpu.memory_space<smem>>
    %add3A_137 = arith.constant 48 : i32
    %add3A_138 = arith.addi %add3A_137, %min3A : i32
    %get3A_139 = arith.index_cast %add3A_138 : i32 to index
    %get3A_140 = memref.load %arg3[%get3A_139] : memref<96xf32, #tpu.memory_space<smem>>
    %add3A_141 = arith.constant 64 : i32
    %add3A_142 = arith.addi %add3A_141, %min3A : i32
    %get3A_143 = arith.index_cast %add3A_142 : i32 to index
    %get3A_144 = memref.load %arg3[%get3A_143] : memref<96xf32, #tpu.memory_space<smem>>
    %add3A_145 = arith.constant 80 : i32
    %add3A_146 = arith.addi %add3A_145, %min3A : i32
    %get3A_147 = arith.index_cast %add3A_146 : i32 to index
    %get3A_148 = memref.load %arg3[%get3A_147] : memref<96xf32, #tpu.memory_space<smem>>
    %mul3A = arith.mulf %sub3A_132, %get3A_136 : f32
    %add3A_149 = arith.addf %get3A_140, %mul3A : f32
    %mul3A_150 = arith.mulf %sub3A_132, %add3A_149 : f32
    %add3A_151 = arith.addf %get3A_144, %mul3A_150 : f32
    %mul3A_152 = arith.mulf %sub3A_132, %add3A_151 : f32
    %add3A_153 = arith.addf %get3A_148, %mul3A_152 : f32
    %lt3A = arith.constant 16 : i32
    %lt3A_154 = arith.cmpi slt, %add3A_124, %lt3A : i32
    %jit3A_155 = arith.constant 0.000000e+00 : f32
    %select_n3A_156 = arith.select %lt3A_154, %add3A_153, %jit3A_155 : f32
    %swap3A = arith.constant 0 : i32
    %swap3A_157 = arith.index_cast %swap3A : i32 to index
    %swap3A_158 = memref.load %arg4[%swap3A_157] : memref<1xf32, #tpu.memory_space<smem>>
    memref.store %select_n3A_156, %arg4[%swap3A_157] : memref<1xf32, #tpu.memory_space<smem>>
    "tpu.region"() ({
      %run_scoped3A = tpu.sem_alloc : memref<!tpu.dma_semaphore, #tpu.memory_space<semaphore_mem>>
      tpu.enqueue_dma source(%arg4 : memref<1xf32, #tpu.memory_space<smem>>) target(%arg2 : memref<1xf32, #tpu.memory_space<hbm>>) target_semaphore(%run_scoped3A : memref<!tpu.dma_semaphore, #tpu.memory_space<semaphore_mem>>)
      tpu.wait_dma2 semaphore(%run_scoped3A : memref<!tpu.dma_semaphore, #tpu.memory_space<semaphore_mem>>) src(%arg4 : memref<1xf32, #tpu.memory_space<smem>>) dst(%arg2 : memref<1xf32, #tpu.memory_space<hbm>>)
      tpu.yield
    }) : () -> ()
    return
  }
}

</mosaic_0001>

<sc_bundles>
// kernel: kernel.3.cloned.1.call-start
scs
__scs_entry_jumppad:
0x0: {  	(pc) =	sbr.rel $0x88, $3  }
0x1: {  	(tag) =	ssettag $0x0;
	lr =	simm.s32 $0x1  }
0x2: {  	[smem:$0x3F9E] =	sst lr;
	_ =	strace $0xD0000000  }
0x3: {  	_ = 	snop  }
0x4: {  	_ = 	snop  }
0x5: {  	_ = 	snop  }
0x6: {  	_ = 	snop  }
0x7: {  	_ = 	snop  }
__scs_overlays_trampoline_lowered:
0x8: {  	[smem:$0x3FAD] =	sst s0  }
0x9: {  	[smem:$0x3FAE] =	sst s1  }
0xa: {  	[smem:$0x3FAF] =	sst s2  }
0xb: {  	[smem:$0x3FB0] =	sst s3  }
0xc: {  	[smem:$0x3FB1] =	sst s4  }
0xd: {  	[smem:$0x3FB2] =	sst s5  }
0xe: {  	[smem:$0x3FB3] =	sst s6  }
0xf: {  	[smem:$0x3FB4] =	sst s7  }
0x10: {  	[smem:$0x3FB5] =	sst s8  }
0x11: {  	[smem:$0x3FB6] =	sst s9;
	s0 =	simm.s32 @!p0 $0x0  }
0x12: {  	s1 =	sld [smem:$0x3F9C];
	s0 =	simm.s32 @p0 $0x1  }
0x13: {  	[smem:$0x3FB7] =	sst s0;
	s0 =	simm.s32 @!p1 $0x0  }
0x14: {  	s2 =	sld [smem:$0x3F9B];
	s0 =	simm.s32 @p1 $0x1  }
0x15: {  	[smem:$0x3FB8] =	sst s0;
	s0 =	simm.s32 @!p2 $0x0  }
0x16: {  	s3 =	sld [smem:$0x3FDB];
	s0 =	simm.s32 @p2 $0x1  }
0x17: {  	s4 =	simm.s32 $0x1BF5;
	[smem:$0x3FBA] =	sst s0  }
0x18: {  	s0 =	sld [smem:$0x3F9D];
	_ =	swait.ge [sflag:s4], $0x0  }
0x19: {  	s7 =	sld [smem:$0x3F9E]  }
0x1a: {  	s8 =	sadd.s32 $0xFFFFE003, lr  }
0x1b: {  	s9 =	sadd.s32 $0xFFFFFEF7, lr;
	s5 =	simm.s32 $0xFFFFFFFF;
	p2 =	slt.u32 s8, $0xFFFFF086  }
0x1c: {  	p1 =	slt.u32 s9, $0xF7A;
	s5 =	simm.s32 @!p2 $0x0  }
0x1d: {  	s5 =	simm.s32 @p1 $0x1;
	p0 =	seq.s32 s7, s2  }
0x1e: {  	s7 =	smul.u32 @!p0 $0xF7A, s2;
	p2 =	seq.s32 @!p0 s5, $0x0  }
0x1f: {  	s9 =	smul.u32 $0xF7A, s1;
	s8 =	simm.s32 @!p0 $0x1BF5;
	p2 =	por !p2, p0  }
0x20: {  	[sflag:s8] =	ssyncset.s32 @!p0 $0xFFFFF086;
	s6 =	sadd.s32 @!p0 s3, s7;
	s7 =	simm.s32 @!p0 $0x108  }
0x21: {  	s3 =	sadd.s32 s3, s9;
	s6 =	sadd.s32 @!p0 $0x88, s6;
	s7 =	simm.s32 @p2 $0x1082  }
0x22: {  	[simem:s7], [sflag:s8] =	dma.local @!p0 [hbm:s6], $0xF7A  }
0x23: {  	s9 =	sor.u32 $0xD0000000, s2;
	s6 =	simm.s32 $0x108;
	_ =	swait.ge @!p0 [sflag:s8], $0x0  }
0x24: {  	s3 =	sadd.s32 $0x88, s3;
	s6 =	simm.s32 @!p1 $0x1082;
	[sflag:s4] =	ssyncset.s32 $0xFFFFF086  }
0x25: {  	[simem:s6], [sflag:s4] =	dma.local [hbm:s3], $0xF7A  }
0x26: {  	[smem:$0x3F9E] =	sst s1;
	(tag) =	ssettag s2;
	_ =	strace s9  }
0x27: {  	s1 =	sld [smem:$0x3FAE]  }
0x28: {  	s2 =	sld [smem:$0x3FAF]  }
0x29: {  	s4 =	sld [smem:$0x3FB1]  }
0x2a: {  	p0 =	seq.s32 s5, $0x0;
	s5 =	sld [smem:$0x3FB2]  }
0x2b: {  	s6 =	sld [smem:$0x3FB3]  }
0x2c: {  	s7 =	sld [smem:$0x3FB4]  }
0x2d: {  	s3 =	simm.s32 $0x108;
	s8 =	sld [smem:$0x3FB5]  }
0x2e: {  	s3 =	simm.s32 @!p0 $0x1082;
	s9 =	sld [smem:$0x3FB6]  }
0x2f: {  	lr =	sadd.s32 s0, s3;
	s0 =	sld [smem:$0x3FAD]  }
0x30: {  	s3 =	sld [smem:$0x3FB0]  }
0x31: {  	[smem:$0x3FB9] =	sst s10  }
0x32: {  	s10 =	sld [smem:$0x3FB7];
	_ =	sdelay $0x3  }
0x33: {  	p0 =	seq.s32 s10, $0x1;
	s10 =	sld [smem:$0x3FB9];
	_ =	sdelay $0x3  }
0x34: {  	[smem:$0x3FB9] =	sst s10  }
0x35: {  	s10 =	sld [smem:$0x3FB8];
	_ =	sdelay $0x3  }
0x36: {  	p1 =	seq.s32 s10, $0x1;
	s10 =	sld [smem:$0x3FB9];
	_ =	sdelay $0x3  }
0x37: {  	[smem:$0x3FB9] =	sst s10  }
0x38: {  	s10 =	sld [smem:$0x3FBA]  }
0x39: {  	_ = 	snop;
	(pc) =	sbr.ind lr, $3  }
0x3a: {  	_ = 	snop  }
0x3b: {  	_ = 	snop  }
0x3c: {  	p2 =	seq.s32 s10, $0x1;
	s10 =	sld [smem:$0x3FB9]  }
0x3d: {  	_ =	shalt  }
0x3e: {  	_ =	shalt  }
0x3f: {  	_ =	shalt  }
0x40: {  	_ =	shalt  }
0x41: {  	_ =	shalt  }
0x42: {  	_ =	shalt  }
0x43: {  	_ =	shalt  }
0x44: {  	_ =	shalt  }
0x45: {  	_ =	shalt  }
0x46: {  	_ =	shalt  }
0x47: {  	_ =	shalt  }
0x48: {  	_ =	shalt  }
0x49: {  	_ =	shalt  }
0x4a: {  	_ =	shalt  }
0x4b: {  	_ =	shalt  }
0x4c: {  	_ =	shalt  }
0x4d: {  	_ =	shalt  }
0x4e: {  	_ =	shalt  }
0x4f: {  	_ =	shalt  }
0x50: {  	_ =	shalt  }
0x51: {  	_ =	shalt  }
0x52: {  	_ =	shalt  }
0x53: {  	_ =	shalt  }
0x54: {  	_ =	shalt  }
0x55: {  	_ =	shalt  }
0x56: {  	_ =	shalt  }
0x57: {  	_ =	shalt  }
0x58: {  	_ =	shalt  }
0x59: {  	_ =	shalt  }
0x5a: {  	_ =	shalt  }
0x5b: {  	_ =	shalt  }
0x5c: {  	_ =	shalt  }
0x5d: {  	_ =	shalt  }
0x5e: {  	_ =	shalt  }
0x5f: {  	_ =	shalt  }
0x60: {  	_ =	shalt  }
0x61: {  	_ =	shalt  }
0x62: {  	_ =	shalt  }
0x63: {  	_ =	shalt  }
0x64: {  	_ =	shalt  }
0x65: {  	_ =	shalt  }
0x66: {  	_ =	shalt  }
0x67: {  	_ =	shalt  }
0x68: {  	_ =	shalt  }
0x69: {  	_ =	shalt  }
0x6a: {  	_ =	shalt  }
0x6b: {  	_ =	shalt  }
0x6c: {  	_ =	shalt  }
0x6d: {  	_ =	shalt  }
0x6e: {  	_ =	shalt  }
0x6f: {  	_ =	shalt  }
0x70: {  	_ =	shalt  }
0x71: {  	_ =	shalt  }
0x72: {  	_ =	shalt  }
0x73: {  	_ =	shalt  }
0x74: {  	_ =	shalt  }
0x75: {  	_ =	shalt  }
0x76: {  	_ =	shalt  }
0x77: {  	_ =	shalt  }
0x78: {  	_ =	shalt  }
0x79: {  	_ =	shalt  }
0x7a: {  	_ =	shalt  }
0x7b: {  	_ =	shalt  }
0x7c: {  	_ =	shalt  }
0x7d: {  	_ =	shalt  }
0x7e: {  	_ =	shalt  }
0x7f: {  	_ =	shalt  }
0x80: {  	_ =	shalt  }
0x81: {  	_ =	shalt  }
0x82: {  	_ =	shalt  }
0x83: {  	_ =	shalt  }
0x84: {  	_ =	shalt  }
0x85: {  	_ =	shalt  }
0x86: {  	_ =	shalt  }
0x87: {  	_ =	shalt  }
.Lfunc_end0:
.L_simem_size_0:
called_computation_lowered:
.L_overlay_start_0:
0x88: {  	s0 =	sld [smem:$0x3FD9]  }
0x89: {  	s1 =	sld [smem:$0x3FFE];
	_ =	sdelay $0x3  }
0x8a: {  	s0 =	sadd.s32 s1, s0  }
0x8b: {  	[smem:$0x3FC5] =	sst s0  }
0x8c: {  	_ = 	snop  }
0x8d: {  	s0 =	sld [smem:$0x3FD0];
	(tm) =	ssettm $0x1  }
0x8e: {  	s26 =	sld [smem:$0x3FFB];
	_ =	sdelay $0x3  }
0x8f: {  	_ =	strace s26  }
0x90: {  	s1 =	sld [smem:$0x3FFC];
	_ =	sdelay $0x3  }
0x91: {  	_ =	strace s1  }
0x92: {  	s1 =	sld [smem:$0x3FFD];
	_ =	sdelay $0x3  }
0x93: {  	_ =	strace s1  }
0x94: {  	s28 =	simm.s32 $0x1B8B;
	_ =	strace $0x8FFFFFFF  }
0x95: {  	_ =	swait.ge [sflag:s28], $0x1  }
0x96: {  	s2 =	sld [smem:$0x3FFE]  }
0x97: {  	[sflag:s28] =	ssyncset.done $0x0  }
0x98: {  	s29 =	simm.s32 $0x1B8E;
	[sflag:s28] =	ssyncadd.s32 $0xFFFFFFFF  }
0x99: {  	s30 =	simm.s32 $0x9;
	[smem:$0x3FD2] =	sst s29  }
0x9a: {  	s3 =	simm.s32 $0x10;
	_ =	strace $0x80000046;
	s2 =	sadd.s32 $0x800, s2  }
0x9b: {  	[smem:s3], [sflag:s30] =	dma.local [hbm:s2], $0x10  }
0x9c: {  	_ =	swait.ge [sflag:s30], $0x10  }
0x9d: {  	[sflag:s30] =	ssyncset.done $0x0  }
0x9e: {  	[sflag:s30] =	ssyncadd.s32 $0xFFFFFFF0  }
0x9f: {  	s31 =	sld [smem:$0x10]  }
0xa0: {  	s10 =	sld [smem:$0x20]  }
0xa1: {  	s4 =	sld [smem:$0x21]  }
0xa2: {  	s5 =	sld [smem:$0x22]  }
0xa3: {  	s11 =	sld [smem:$0x23]  }
0xa4: {  	s12 =	sld [smem:$0x24]  }
0xa5: {  	s13 =	sld [smem:$0x25]  }
0xa6: {  	s14 =	sld [smem:$0x26]  }
0xa7: {  	s15 =	sld [smem:$0x28]  }
0xa8: {  	s16 =	sld [smem:$0x29]  }
0xa9: {  	s17 =	sld [smem:$0x2B]  }
0xaa: {  	s18 =	sld [smem:$0x2C]  }
0xab: {  	s6 =	simm.s32 $0x1;
	s19 =	sld [smem:$0x2D]  }
0xac: {  	s7 =	simm.s32 $0x1;
	s8 =	simm.s32 $0x1;
	s20 =	sld [smem:$0x2E]  }
0xad: {  	s9 =	simm.s32 $0x1;
	s21 =	sld [smem:$0x2F];
	p0 =	sle.f32 s10, s31  }
0xae: {  	s3 =	simm.s32 $0x1;
	p1 =	sle.f32 s4, s31;
	p2 =	sle.f32 s5, s31  }
0xaf: {  	s4 =	simm.s32 $0x1;
	s10 =	sld [smem:$0x27];
	s5 =	simm.s32 $0x1  }
0xb0: {  	s4 =	simm.s32 @!p0 $0x0;
	s6 =	simm.s32 @!p1 $0x0;
	s7 =	simm.s32 @!p2 $0x0  }
0xb1: {  	p0 =	sle.f32 s11, s31;
	p1 =	sle.f32 s12, s31;
	s11 =	simm.s32 $0x1  }
0xb2: {  	s12 =	simm.s32 $0x1;
	s4 =	sadd.s32 s4, s6;
	s6 =	simm.s32 $0x1  }
0xb3: {  	s8 =	simm.s32 @!p0 $0x0;
	s9 =	simm.s32 @!p1 $0x0;
	p0 =	sle.f32 s13, s31  }
0xb4: {  	p1 =	sle.f32 s14, s31;
	s13 =	sld [smem:$0x2A];
	s4 =	sadd.s32 s7, s4  }
0xb5: {  	s7 =	simm.s32 $0x1;
	s4 =	sadd.s32 s8, s4;
	s11 =	simm.s32 @!p0 $0x0  }
0xb6: {  	p0 =	sle.f32 s10, s31;
	s12 =	simm.s32 @!p1 $0x0;
	s10 =	simm.s32 $0x1  }
0xb7: {  	p1 =	sle.f32 s16, s31;
	s4 =	sadd.s32 s9, s4;
	s9 =	simm.s32 $0x1  }
0xb8: {  	s4 =	sadd.s32 s11, s4;
	s10 =	simm.s32 @!p0 $0x0;
	p0 =	sle.f32 s15, s31  }
0xb9: {  	s6 =	simm.s32 @!p1 $0x0;
	p1 =	sle.f32 s17, s31;
	s4 =	sadd.s32 s12, s4  }
0xba: {  	s4 =	sadd.s32 s10, s4;
	s3 =	simm.s32 @!p0 $0x0;
	p0 =	sle.f32 s13, s31  }
0xbb: {  	s9 =	simm.s32 @!p1 $0x0;
	p1 =	sle.f32 s19, s31;
	s3 =	sadd.s32 s3, s4  }
0xbc: {  	s7 =	simm.s32 @!p0 $0x0;
	p0 =	sle.f32 s18, s31;
	s3 =	sadd.s32 s6, s3  }
0xbd: {  	s4 =	simm.s32 $0x1;
	s5 =	simm.s32 @!p1 $0x0;
	s3 =	sadd.s32 s7, s3  }
0xbe: {  	s4 =	simm.s32 @!p0 $0x0;
	p0 =	sle.f32 s20, s31;
	s3 =	sadd.s32 s9, s3  }
0xbf: {  	s6 =	simm.s32 $0x1;
	p1 =	sle.f32 s21, s31;
	s3 =	sadd.s32 s4, s3  }
0xc0: {  	s4 =	simm.s32 $0x1;
	s6 =	simm.s32 @!p0 $0x0;
	s3 =	sadd.s32 s5, s3  }
0xc1: {  	s4 =	simm.s32 @!p1 $0x0;
	s3 =	sadd.s32 s6, s3  }
0xc2: {  	s3 =	sadd.s32 s4, s3  }
0xc3: {  	s4 =	smax.u32 s3, $0x1  }
0xc4: {  	s4 =	smin.u32 s4, $0xF  }
0xc5: {  	s22 =	sld [smem:s4+$0x1F];
	_ =	sdelay $0x1  }
0xc6: {  	s23 =	sld [smem:s4+$0x2F]  }
0xc7: {  	s24 =	sld [smem:s4+$0x3F]  }
0xc8: {  	s2 =	ssub.f32 s31, s22;
	_ =	sdelay $0x1  }
0xc9: {  	s6 =	smul.f32 s23, s2  }
0xca: {  	s25 =	sld [smem:s4+$0x4F]  }
0xcb: {  	s5 =	sadd.f32 s6, s24;
	_ =	sdelay $0x1  }
0xcc: {  	s5 =	smul.f32 s5, s2  }
0xcd: {  	s4 =	sld [smem:s4+$0x5F]  }
0xce: {  	s5 =	sadd.f32 s5, s25;
	_ =	sdelay $0x1  }
0xcf: {  	s2 =	smul.f32 s5, s2;
	_ =	sdelay $0x1  }
0xd0: {  	s2 =	sadd.f32 s2, s4  }
0xd1: {  	p0 =	slt.u32 s3, $0x10  }
0xd2: {  	s2 =	simm.s32 @!p0 $0x0  }
0xd3: {  	s26 =	simm.s32 $0x90;
	[smem:$0x90] =	sst s2  }
0xd4: {  	[hbm:s0], [sflag:s30] =	dma.local [smem:s26], $0x10  }
0xd5: {  	_ =	swait.ge [sflag:s30], $0x10  }
0xd6: {  	[sflag:s30] =	ssyncset.done $0x0  }
0xd7: {  	[sflag:s30] =	ssyncadd.s32 $0xFFFFFFF0  }
0xd8: {  	_ =	strace $0x90000046  }
0xd9: {  	_ =	sfence  }
0xda: {  	s28 =	sld [smem:$0x0];
	_ =	sdelay $0x1  }
0xdb: {  	s29 =	srdreg.scid  }
0xdc: {  	s31 =	sshrl.u32 s29, $0x2;
	s30 =	sshll.u32 s29, $0xD  }
0xdd: {  	s1 =	sand.u32 $0x1, s29;
	s2 =	sand.u32 $0x4000, s30;
	s0 =	sadd.s32 s31, s28  }
0xde: {  	s1 =	sor.u32 s2, s1;
	s0 =	sshll.u32 s0, $0x11  }
0xdf: {  	s0 =	sor.u32 s0, s1  }
0xe0: {  	s0 =	sadd.s32 $0x8F2B, s0;
	(pc) =	sbr.abs _section_cstart, $3  }
0xe1: {  	[sflag:s0] =	ssyncadd.remote.s32 $0x1  }
0xe2: {  	_ =	strace $0x9FFFFFFF  }
0xe3: {  	(tm) =	ssettm $0x7FFFFFFF  }

</sc_bundles>
